<compile_context>
chip_gen: v7x
topology: tpu7x:2x2x1
jax: 0.10.2.dev20260603
libtpu: 0.0.44.dev20260713+nightly
codegen_flags: <defaults>
</compile_context>

<pallas_src>
import functools

import jax
import jax.numpy as jnp
from jax import lax
from jax.experimental import pallas as pl
from jax.experimental.pallas import tpu as pltpu
from jax.experimental.pallas import tpu_sc as plsc

B = 16384
D = 32
K = 8192
ENTROPY_WEIGHT = 0.01
VQ_BETA = 0.25

BB = 1024
NB = B // BB

NC = 2
NS = 16
NW = NC * NS
BPW = B // NW
GCHUNK = 128
NCHUNK = BPW // GCHUNK
CLANES = 16
KPW = K // NS


def _normalize_rows(v):
    n = jnp.sqrt(jnp.sum(v * v, axis=1, keepdims=True))
    return v / jnp.maximum(n, 1e-12)


def _cbnorm_kernel(cb_ref, cbnt_ref):
    cbn = _normalize_rows(cb_ref[...])
    cbnt_ref[...] = cbn.T


def _cbnorm(codebook):
    return pl.pallas_call(
        _cbnorm_kernel,
        out_shape=jax.ShapeDtypeStruct((D, K), jnp.float32),
    )(codebook)


def _assign_kernel(x_ref, cbnt_ref, idx_ref):
    xn = _normalize_rows(x_ref[...])
    dots = lax.dot_general(
        xn, cbnt_ref[...], (((1,), (0,)), ((), ())),
        preferred_element_type=jnp.float32,
        precision=lax.Precision.DEFAULT,
    )
    idx_ref[0, 0, :] = jnp.argmax(dots, axis=1).astype(jnp.int32)


def _assign(x, cbnt):
    return pl.pallas_call(
        _assign_kernel,
        grid=(NB,),
        in_specs=[
            pl.BlockSpec((BB, D), lambda i: (i, 0)),
            pl.BlockSpec((D, K), lambda i: (0, 0)),
        ],
        out_specs=pl.BlockSpec((1, 1, BB), lambda i: (i, 0, 0)),
        out_shape=jax.ShapeDtypeStruct((NB, 1, BB), jnp.int32),
    )(x, cbnt)


def _gather_and_count(codebook, indices3):
    mesh = plsc.VectorSubcoreMesh(core_axis_name="c", subcore_axis_name="s")

    @functools.partial(
        pl.kernel,
        out_type=[
            jax.ShapeDtypeStruct((B, D), jnp.float32),
            jax.ShapeDtypeStruct((NC, K, CLANES), jnp.float32),
        ],
        mesh=mesh,
        compiler_params=pltpu.CompilerParams(use_tc_tiling_on_sc=False),
        scratch_types=[
            pltpu.VMEM((NCHUNK, GCHUNK), jnp.int32),
            pltpu.VMEM((BPW, D), jnp.float32),
            pltpu.VMEM((GCHUNK, CLANES), jnp.float32),
            pltpu.VMEM((KPW, CLANES), jnp.float32),
            pltpu.VMEM_SHARED((K, CLANES), jnp.float32),
            pltpu.SemaphoreType.DMA,
        ],
    )
    def k(table_hbm, idx_hbm, z_hbm, cnt_hbm,
          idx_v, rows_v, ones_v, zero_v, cnt_shared, sem):
        c = lax.axis_index("c")
        s = lax.axis_index("s")
        wid = s * NC + c

        pltpu.sync_copy(idx_hbm.at[wid], idx_v)

        one_row = jnp.full((CLANES,), 1.0, dtype=jnp.float32)
        zero_row = jnp.zeros((CLANES,), dtype=jnp.float32)

        @pl.loop(0, GCHUNK)
        def _(i):
            ones_v.at[i][...] = one_row

        @pl.loop(0, KPW)
        def _(i):
            zero_v.at[i][...] = zero_row

        gathers = [
            pltpu.async_copy(
                table_hbm.at[idx_v.at[ch]],
                rows_v.at[pl.ds(ch * GCHUNK, GCHUNK)],
                sem,
            )
            for ch in range(NCHUNK)
        ]

        pltpu.sync_copy(zero_v, cnt_shared.at[pl.ds(s * KPW, KPW)])
        plsc.subcore_barrier()
        for ch in range(NCHUNK):
            pltpu.sync_copy(ones_v, cnt_shared.at[idx_v.at[ch]], add=True)
        plsc.subcore_barrier()
        pltpu.sync_copy(cnt_shared.at[pl.ds(s * KPW, KPW)],
                        cnt_hbm.at[c].at[pl.ds(s * KPW, KPW)])

        for g in gathers:
            g.wait()
        pltpu.sync_copy(rows_v, z_hbm.at[pl.ds(wid * BPW, BPW)])

    return k(codebook, indices3)


def _finalize_kernel(x_ref, z_ref, cnt_ref, vq_ref, q_ref, cm_ref,
                     el_ref, ent_ref):
    x = x_ref[...]
    z = z_ref[...]
    d = x - z
    mse = jnp.mean(d * d)
    cs = jnp.sum(cnt_ref[...], axis=0) * (1.0 / CLANES)
    counts = jnp.sum(cs.reshape(K // 8, 8, CLANES), axis=2).reshape(1, K)
    probs = counts / jnp.sum(counts)
    ent = -jnp.sum(probs * jnp.log(jnp.maximum(probs, 1e-9)))
    el = -ent
    q_ref[...] = jnp.reshape(mse, (1, 1))
    cm_ref[...] = jnp.reshape(mse, (1, 1))
    el_ref[...] = jnp.reshape(el, (1, 1))
    ent_ref[...] = jnp.reshape(ent, (1, 1))
    vq_ref[...] = jnp.reshape(mse + VQ_BETA * mse + ENTROPY_WEIGHT * el, (1, 1))


def _finalize(x, z, cnt_view):
    return pl.pallas_call(
        _finalize_kernel,
        out_shape=[
            jax.ShapeDtypeStruct((1, 1), jnp.float32),
            jax.ShapeDtypeStruct((1, 1), jnp.float32),
            jax.ShapeDtypeStruct((1, 1), jnp.float32),
            jax.ShapeDtypeStruct((1, 1), jnp.float32),
            jax.ShapeDtypeStruct((1, 1), jnp.float32),
        ],
    )(x, z, cnt_view)


def kernel(x, codebook):
    cbnt = _cbnorm(codebook)
    idx3 = _assign(x, cbnt)
    indices = idx3.reshape(B)
    z, cnt = _gather_and_count(codebook, indices.reshape(NW, NCHUNK, GCHUNK))
    cnt_view = cnt.reshape(NC, K // 8, 8 * CLANES)
    vq, q, cm, el, ent = _finalize(x, z, cnt_view)
    return (z, vq[0, 0], q[0, 0], cm[0, 0], el[0, 0], ent[0, 0], indices)

# --- scband reference (transcript-rebuilt; emitter-appended) ---
"""Pipeline reference for scband-vector-quantizer-78640851190409 (READ-ONLY COPY).

The authoritative reference and input builder live on the scoring server;
editing this copy changes nothing except your own understanding.
"""

import jax, jax.numpy as jnp
import numpy as np

B = 16384
D = 32
K = 8192
ENTROPY_WEIGHT = 0.01
VQ_BETA = 0.25


def _normalize(v, eps=1e-12):
    n = jnp.linalg.norm(v, axis=-1, keepdims=True)
    return v / jnp.clip(n, eps)


def setup_inputs(seed: int = 0) -> dict:
    key = jax.random.key(seed)
    k1, k2 = jax.random.split(key)
    x = jax.random.normal(k1, (B, D), dtype=jnp.float32)
    bound = (3.0 / D) ** 0.5
    codebook = jax.random.uniform(k2, (K, D), minval=-bound, maxval=bound, dtype=jnp.float32)
    codebook = codebook / jnp.clip(jnp.linalg.norm(codebook, axis=-1, keepdims=True), 1e-12)
    return {"x": x, "codebook": codebook}


def reference(x, codebook):
    # dropout p=0.0 -> identity
    x_norm = _normalize(x)
    cb_norm = _normalize(codebook)
    distance = -jnp.matmul(x_norm, cb_norm.T)
    indices = jnp.argmin(distance, axis=-1)
    z = jnp.take(codebook, indices, axis=0)
    z_q = x + jax.lax.stop_gradient(z - x)
    commit_loss = jnp.mean((x - jax.lax.stop_gradient(z)) ** 2)
    q_loss = jnp.mean((z - jax.lax.stop_gradient(x)) ** 2)
    counts = jnp.bincount(indices.reshape(-1), length=K).astype(jnp.float32)
    probs = counts / counts.sum()
    entropy = -(probs * jnp.log(jnp.clip(probs, 1e-9))).sum()
    entropy_loss = -entropy
    vq_loss = q_loss + VQ_BETA * commit_loss + ENTROPY_WEIGHT * entropy_loss
    return (z_q, vq_loss, q_loss, commit_loss, entropy_loss, entropy, indices)

if __name__ == "__main__":
    import jax
    _d = setup_inputs()
    print(jax.jit(kernel)(*tuple(_d.values())))

</pallas_src>

<mosaic_0001>
#map = affine_map<(d0, d1) -> (0, 0)>
#map1 = affine_map<(d0, d1) -> (0, 0, 0)>
module attributes {stable_mosaic.version = 14 : i64} {
  func.func @k(%arg0: i32, %arg1: i32, %arg2: memref<8192x32xf32, #tpu.memory_space<hbm>>, %arg3: memref<32x4x128xi32, #tpu.memory_space<hbm>>, %arg4: memref<16384x32xf32, #tpu.memory_space<hbm>>, %arg5: memref<2x8192x16xf32, #tpu.memory_space<hbm>>, %arg6: memref<4x128xi32, #tpu.memory_space<vmem>>, %arg7: memref<512x32xf32, #tpu.memory_space<vmem>>, %arg8: memref<128x16xf32, #tpu.memory_space<vmem>>, %arg9: memref<512x16xf32, #tpu.memory_space<vmem>>, %arg10: memref<8192x16xf32, #tpu.memory_space<vmem_shared>>, %arg11: memref<!tpu.dma_semaphore, #tpu.memory_space<semaphore_mem>>) attributes {dimension_semantics = [#tpu.dimension_semantics<core_parallel>, #tpu.dimension_semantics<subcore_parallel>], iteration_bounds = array<i64: 2, 16>, scalar_prefetch = 0 : i64, scratch_operands = 6 : i64, tpu.core_type = #tpu.core_type<sc_vector_subcore>, window_params = [{transform_indices = #map}, {transform_indices = #map1}, {transform_indices = #map}, {transform_indices = #map1}]} {
    %mul3A = arith.constant 2 : i32
    %mul3A_0 = arith.muli %arg1, %mul3A : i32
    %add3A = arith.addi %mul3A_0, %arg0 : i32
    "tpu.region"() ({
      %run_scoped3A_103 = tpu.sem_alloc : memref<!tpu.dma_semaphore, #tpu.memory_space<semaphore_mem>>
      %dma_start3A_104 = arith.constant 0 : i32
      %dma_start3A_105 = arith.constant 0 : i32
      %dma_start3A_106 = tpu.memref_slice %arg3[%add3A, %dma_start3A_104, %dma_start3A_105] : memref<32x4x128xi32, #tpu.memory_space<hbm>> -> memref<1x4x128xi32, #tpu.memory_space<hbm>>
      %dma_start3A_107 = tpu.memref_squeeze %dma_start3A_106 : memref<1x4x128xi32, #tpu.memory_space<hbm>> -> memref<4x128xi32, #tpu.memory_space<hbm>>
      %dma_start3A_108 = arith.constant 0 : i32
      %dma_start3A_109 = arith.constant 0 : i32
      %dma_start3A_110 = tpu.memref_slice %arg3[%add3A, %dma_start3A_108, %dma_start3A_109] : memref<32x4x128xi32, #tpu.memory_space<hbm>> -> memref<1x4x128xi32, #tpu.memory_space<hbm>>
      %dma_start3A_111 = tpu.memref_squeeze %dma_start3A_110 : memref<1x4x128xi32, #tpu.memory_space<hbm>> -> memref<4x128xi32, #tpu.memory_space<hbm>>
      tpu.enqueue_dma source(%dma_start3A_111 : memref<4x128xi32, #tpu.memory_space<hbm>>) target(%arg6 : memref<4x128xi32, #tpu.memory_space<vmem>>) target_semaphore(%run_scoped3A_103 : memref<!tpu.dma_semaphore, #tpu.memory_space<semaphore_mem>>)
      %dma_wait3A_112 = arith.constant 0 : i32
      %dma_wait3A_113 = arith.constant 0 : i32
      %dma_wait3A_114 = tpu.memref_slice %arg3[%add3A, %dma_wait3A_112, %dma_wait3A_113] : memref<32x4x128xi32, #tpu.memory_space<hbm>> -> memref<1x4x128xi32, #tpu.memory_space<hbm>>
      %dma_wait3A_115 = tpu.memref_squeeze %dma_wait3A_114 : memref<1x4x128xi32, #tpu.memory_space<hbm>> -> memref<4x128xi32, #tpu.memory_space<hbm>>
      %dma_wait3A_116 = arith.constant 0 : i32
      %dma_wait3A_117 = arith.constant 0 : i32
      %dma_wait3A_118 = tpu.memref_slice %arg3[%add3A, %dma_wait3A_116, %dma_wait3A_117] : memref<32x4x128xi32, #tpu.memory_space<hbm>> -> memref<1x4x128xi32, #tpu.memory_space<hbm>>
      %dma_wait3A_119 = tpu.memref_squeeze %dma_wait3A_118 : memref<1x4x128xi32, #tpu.memory_space<hbm>> -> memref<4x128xi32, #tpu.memory_space<hbm>>
      tpu.wait_dma2 semaphore(%run_scoped3A_103 : memref<!tpu.dma_semaphore, #tpu.memory_space<semaphore_mem>>) src(%dma_wait3A_119 : memref<4x128xi32, #tpu.memory_space<hbm>>) dst(%arg6 : memref<4x128xi32, #tpu.memory_space<vmem>>)
      tpu.yield
    }) : () -> ()
    %broadcast_in_dim3A = arith.constant 1.000000e+00 : f32
    %broadcast_in_dim3A_1 = vector.broadcast %broadcast_in_dim3A : f32 to vector<16xf32>
    %broadcast_in_dim3A_2 = arith.constant 0.000000e+00 : f32
    %broadcast_in_dim3A_3 = vector.broadcast %broadcast_in_dim3A_2 : f32 to vector<16xf32>
    %scan3A = arith.constant 0 : i32
    %scan3A_4 = arith.constant 128 : i32
    %scan3A_5 = arith.addi %scan3A, %scan3A_4 : i32
    %scan3A_6 = arith.constant 1 : i32
    scf.for %scan3A_103 = %scan3A to %scan3A_5 step %scan3A_6  : i32 {
      %mul3A_104 = arith.constant 1 : i32
      %mul3A_105 = arith.muli %scan3A_103, %mul3A_104 : i32
      %add3A_106 = arith.constant 0 : i32
      %add3A_107 = arith.addi %add3A_106, %mul3A_105 : i32
      %swap3A = arith.index_cast %add3A_107 : i32 to index
      %swap3A_108 = arith.constant 0 : index
      %swap3A_109 = tpu.vector_load %arg8[%swap3A, %swap3A_108] {strides = array<i32>} : memref<128x16xf32, #tpu.memory_space<vmem>>, vector<1x16xf32>,
      %swap3A_110 = vector.shape_cast %swap3A_109 : vector<1x16xf32> to vector<16xf32>
      %swap3A_111 = vector.shape_cast %broadcast_in_dim3A_1 : vector<16xf32> to vector<1x16xf32>
      tpu.vector_store %arg8[%swap3A, %swap3A_108], %swap3A_111 {strides = array<i32>} : memref<128x16xf32, #tpu.memory_space<vmem>>, vector<1x16xf32>,
    }
    %scan3A_7 = arith.constant 128 : i32
    %scan3A_8 = arith.constant 0 : i32
    %scan3A_9 = arith.constant 512 : i32
    %scan3A_10 = arith.addi %scan3A_8, %scan3A_9 : i32
    %scan3A_11 = arith.constant 1 : i32
    scf.for %scan3A_103 = %scan3A_8 to %scan3A_10 step %scan3A_11  : i32 {
      %mul3A_104 = arith.constant 1 : i32
      %mul3A_105 = arith.muli %scan3A_103, %mul3A_104 : i32
      %add3A_106 = arith.constant 0 : i32
      %add3A_107 = arith.addi %add3A_106, %mul3A_105 : i32
      %swap3A = arith.index_cast %add3A_107 : i32 to index
      %swap3A_108 = arith.constant 0 : index
      %swap3A_109 = tpu.vector_load %arg9[%swap3A, %swap3A_108] {strides = array<i32>} : memref<512x16xf32, #tpu.memory_space<vmem>>, vector<1x16xf32>,
      %swap3A_110 = vector.shape_cast %swap3A_109 : vector<1x16xf32> to vector<16xf32>
      %swap3A_111 = vector.shape_cast %broadcast_in_dim3A_3 : vector<16xf32> to vector<1x16xf32>
      tpu.vector_store %arg9[%swap3A, %swap3A_108], %swap3A_111 {strides = array<i32>} : memref<512x16xf32, #tpu.memory_space<vmem>>, vector<1x16xf32>,
    }
    %scan3A_12 = arith.constant 512 : i32
    %dma_start3A = arith.constant 0 : i32
    %dma_start3A_13 = arith.constant 0 : i32
    %dma_start3A_14 = arith.constant 0 : i32
    %dma_start3A_15 = tpu.memref_slice %arg7[%dma_start3A_13, %dma_start3A_14] : memref<512x32xf32, #tpu.memory_space<vmem>> -> memref<128x32xf32, #tpu.memory_space<vmem>>
    %dma_start3A_16 = arith.constant 0 : i32
    %dma_start3A_17 = tpu.memref_slice %arg6[%dma_start3A, %dma_start3A_16] : memref<4x128xi32, #tpu.memory_space<vmem>> -> memref<1x128xi32, #tpu.memory_space<vmem>>
    %dma_start3A_18 = tpu.memref_squeeze %dma_start3A_17 : memref<1x128xi32, #tpu.memory_space<vmem>> -> memref<128xi32, #tpu.memory_space<vmem>>
    %dma_start3A_19 = arith.constant 0 : i32
    %dma_start3A_20 = arith.constant 0 : i32
    %dma_start3A_21 = tpu.memref_slice %arg2[%dma_start3A_19, %dma_start3A_20] : memref<8192x32xf32, #tpu.memory_space<hbm>> -> memref<8192x32xf32, #tpu.memory_space<hbm>>
    tpu.enqueue_indirect_dma source(%dma_start3A_21 : memref<8192x32xf32, #tpu.memory_space<hbm>>) target(%dma_start3A_15 : memref<128x32xf32, #tpu.memory_space<vmem>>) offsets(%dma_start3A_18 : memref<128xi32, #tpu.memory_space<vmem>>) semaphore(%arg11 : memref<!tpu.dma_semaphore, #tpu.memory_space<semaphore_mem>>)
    %dma_start3A_22 = arith.constant 1 : i32
    %dma_start3A_23 = arith.constant 128 : i32
    %dma_start3A_24 = arith.constant 0 : i32
    %dma_start3A_25 = tpu.memref_slice %arg7[%dma_start3A_23, %dma_start3A_24] : memref<512x32xf32, #tpu.memory_space<vmem>> -> memref<128x32xf32, #tpu.memory_space<vmem>>
    %dma_start3A_26 = arith.constant 0 : i32
    %dma_start3A_27 = tpu.memref_slice %arg6[%dma_start3A_22, %dma_start3A_26] : memref<4x128xi32, #tpu.memory_space<vmem>> -> memref<1x128xi32, #tpu.memory_space<vmem>>
    %dma_start3A_28 = tpu.memref_squeeze %dma_start3A_27 : memref<1x128xi32, #tpu.memory_space<vmem>> -> memref<128xi32, #tpu.memory_space<vmem>>
    %dma_start3A_29 = arith.constant 0 : i32
    %dma_start3A_30 = arith.constant 0 : i32
    %dma_start3A_31 = tpu.memref_slice %arg2[%dma_start3A_29, %dma_start3A_30] : memref<8192x32xf32, #tpu.memory_space<hbm>> -> memref<8192x32xf32, #tpu.memory_space<hbm>>
    tpu.enqueue_indirect_dma source(%dma_start3A_31 : memref<8192x32xf32, #tpu.memory_space<hbm>>) target(%dma_start3A_25 : memref<128x32xf32, #tpu.memory_space<vmem>>) offsets(%dma_start3A_28 : memref<128xi32, #tpu.memory_space<vmem>>) semaphore(%arg11 : memref<!tpu.dma_semaphore, #tpu.memory_space<semaphore_mem>>)
    %dma_start3A_32 = arith.constant 2 : i32
    %dma_start3A_33 = arith.constant 256 : i32
    %dma_start3A_34 = arith.constant 0 : i32
    %dma_start3A_35 = tpu.memref_slice %arg7[%dma_start3A_33, %dma_start3A_34] : memref<512x32xf32, #tpu.memory_space<vmem>> -> memref<128x32xf32, #tpu.memory_space<vmem>>
    %dma_start3A_36 = arith.constant 0 : i32
    %dma_start3A_37 = tpu.memref_slice %arg6[%dma_start3A_32, %dma_start3A_36] : memref<4x128xi32, #tpu.memory_space<vmem>> -> memref<1x128xi32, #tpu.memory_space<vmem>>
    %dma_start3A_38 = tpu.memref_squeeze %dma_start3A_37 : memref<1x128xi32, #tpu.memory_space<vmem>> -> memref<128xi32, #tpu.memory_space<vmem>>
    %dma_start3A_39 = arith.constant 0 : i32
    %dma_start3A_40 = arith.constant 0 : i32
    %dma_start3A_41 = tpu.memref_slice %arg2[%dma_start3A_39, %dma_start3A_40] : memref<8192x32xf32, #tpu.memory_space<hbm>> -> memref<8192x32xf32, #tpu.memory_space<hbm>>
    tpu.enqueue_indirect_dma source(%dma_start3A_41 : memref<8192x32xf32, #tpu.memory_space<hbm>>) target(%dma_start3A_35 : memref<128x32xf32, #tpu.memory_space<vmem>>) offsets(%dma_start3A_38 : memref<128xi32, #tpu.memory_space<vmem>>) semaphore(%arg11 : memref<!tpu.dma_semaphore, #tpu.memory_space<semaphore_mem>>)
    %dma_start3A_42 = arith.constant 3 : i32
    %dma_start3A_43 = arith.constant 384 : i32
    %dma_start3A_44 = arith.constant 0 : i32
    %dma_start3A_45 = tpu.memref_slice %arg7[%dma_start3A_43, %dma_start3A_44] : memref<512x32xf32, #tpu.memory_space<vmem>> -> memref<128x32xf32, #tpu.memory_space<vmem>>
    %dma_start3A_46 = arith.constant 0 : i32
    %dma_start3A_47 = tpu.memref_slice %arg6[%dma_start3A_42, %dma_start3A_46] : memref<4x128xi32, #tpu.memory_space<vmem>> -> memref<1x128xi32, #tpu.memory_space<vmem>>
    %dma_start3A_48 = tpu.memref_squeeze %dma_start3A_47 : memref<1x128xi32, #tpu.memory_space<vmem>> -> memref<128xi32, #tpu.memory_space<vmem>>
    %dma_start3A_49 = arith.constant 0 : i32
    %dma_start3A_50 = arith.constant 0 : i32
    %dma_start3A_51 = tpu.memref_slice %arg2[%dma_start3A_49, %dma_start3A_50] : memref<8192x32xf32, #tpu.memory_space<hbm>> -> memref<8192x32xf32, #tpu.memory_space<hbm>>
    tpu.enqueue_indirect_dma source(%dma_start3A_51 : memref<8192x32xf32, #tpu.memory_space<hbm>>) target(%dma_start3A_45 : memref<128x32xf32, #tpu.memory_space<vmem>>) offsets(%dma_start3A_48 : memref<128xi32, #tpu.memory_space<vmem>>) semaphore(%arg11 : memref<!tpu.dma_semaphore, #tpu.memory_space<semaphore_mem>>)
    %mul3A_52 = arith.constant 512 : i32
    %mul3A_53 = arith.muli %arg1, %mul3A_52 : i32
    "tpu.region"() ({
      %run_scoped3A_103 = tpu.sem_alloc : memref<!tpu.dma_semaphore, #tpu.memory_space<semaphore_mem>>
      %dma_start3A_104 = arith.constant 0 : i32
      %dma_start3A_105 = tpu.memref_slice %arg10[%mul3A_53, %dma_start3A_104] : memref<8192x16xf32, #tpu.memory_space<vmem_shared>> -> memref<512x16xf32, #tpu.memory_space<vmem_shared>>
      %dma_start3A_106 = arith.constant 0 : i32
      %dma_start3A_107 = tpu.memref_slice %arg10[%mul3A_53, %dma_start3A_106] : memref<8192x16xf32, #tpu.memory_space<vmem_shared>> -> memref<512x16xf32, #tpu.memory_space<vmem_shared>>
      tpu.enqueue_dma source(%arg9 : memref<512x16xf32, #tpu.memory_space<vmem>>) target(%dma_start3A_107 : memref<512x16xf32, #tpu.memory_space<vmem_shared>>) target_semaphore(%run_scoped3A_103 : memref<!tpu.dma_semaphore, #tpu.memory_space<semaphore_mem>>)
      %dma_wait3A_108 = arith.constant 0 : i32
      %dma_wait3A_109 = tpu.memref_slice %arg10[%mul3A_53, %dma_wait3A_108] : memref<8192x16xf32, #tpu.memory_space<vmem_shared>> -> memref<512x16xf32, #tpu.memory_space<vmem_shared>>
      %dma_wait3A_110 = arith.constant 0 : i32
      %dma_wait3A_111 = tpu.memref_slice %arg10[%mul3A_53, %dma_wait3A_110] : memref<8192x16xf32, #tpu.memory_space<vmem_shared>> -> memref<512x16xf32, #tpu.memory_space<vmem_shared>>
      tpu.wait_dma2 semaphore(%run_scoped3A_103 : memref<!tpu.dma_semaphore, #tpu.memory_space<semaphore_mem>>) src(%arg9 : memref<512x16xf32, #tpu.memory_space<vmem>>) dst(%dma_wait3A_111 : memref<512x16xf32, #tpu.memory_space<vmem_shared>>)
      tpu.yield
    }) : () -> ()
    %barrier3A = arith.constant 0 : index
    tpu.barrier barrier_id(%barrier3A)
    %run_scoped3A = arith.constant 0 : i32
    "tpu.region"() ({
      %run_scoped3A_103 = tpu.sem_alloc : memref<!tpu.dma_semaphore, #tpu.memory_space<semaphore_mem>>
      %dma_start3A_104 = arith.constant 0 : i32
      %dma_start3A_105 = tpu.memref_slice %arg6[%run_scoped3A, %dma_start3A_104] : memref<4x128xi32, #tpu.memory_space<vmem>> -> memref<1x128xi32, #tpu.memory_space<vmem>>
      %dma_start3A_106 = tpu.memref_squeeze %dma_start3A_105 : memref<1x128xi32, #tpu.memory_space<vmem>> -> memref<128xi32, #tpu.memory_space<vmem>>
      %dma_start3A_107 = arith.constant 0 : i32
      %dma_start3A_108 = arith.constant 0 : i32
      %dma_start3A_109 = tpu.memref_slice %arg10[%dma_start3A_107, %dma_start3A_108] : memref<8192x16xf32, #tpu.memory_space<vmem_shared>> -> memref<8192x16xf32, #tpu.memory_space<vmem_shared>>
      tpu.enqueue_indirect_dma source(%arg8 : memref<128x16xf32, #tpu.memory_space<vmem>>) target(%dma_start3A_109 : memref<8192x16xf32, #tpu.memory_space<vmem_shared>>) offsets(%dma_start3A_106 : memref<128xi32, #tpu.memory_space<vmem>>) semaphore(%run_scoped3A_103 : memref<!tpu.dma_semaphore, #tpu.memory_space<semaphore_mem>>) {add = true}
      %dma_wait3A_110 = arith.constant 0 : i32
      %dma_wait3A_111 = tpu.memref_slice %arg6[%run_scoped3A, %dma_wait3A_110] : memref<4x128xi32, #tpu.memory_space<vmem>> -> memref<1x128xi32, #tpu.memory_space<vmem>>
      %dma_wait3A_112 = tpu.memref_squeeze %dma_wait3A_111 : memref<1x128xi32, #tpu.memory_space<vmem>> -> memref<128xi32, #tpu.memory_space<vmem>>
      %dma_wait3A_113 = arith.constant 0 : i32
      %dma_wait3A_114 = arith.constant 0 : i32
      %dma_wait3A_115 = tpu.memref_slice %arg10[%dma_wait3A_113, %dma_wait3A_114] : memref<8192x16xf32, #tpu.memory_space<vmem_shared>> -> memref<8192x16xf32, #tpu.memory_space<vmem_shared>>
      tpu.wait_indirect_dma semaphore(%run_scoped3A_103 : memref<!tpu.dma_semaphore, #tpu.memory_space<semaphore_mem>>) src(%arg8 : memref<128x16xf32, #tpu.memory_space<vmem>>) dst(%dma_wait3A_115 : memref<8192x16xf32, #tpu.memory_space<vmem_shared>>)
      tpu.yield
    }) : () -> ()
    %run_scoped3A_54 = arith.constant 1 : i32
    "tpu.region"() ({
      %run_scoped3A_103 = tpu.sem_alloc : memref<!tpu.dma_semaphore, #tpu.memory_space<semaphore_mem>>
      %dma_start3A_104 = arith.constant 0 : i32
      %dma_start3A_105 = tpu.memref_slice %arg6[%run_scoped3A_54, %dma_start3A_104] : memref<4x128xi32, #tpu.memory_space<vmem>> -> memref<1x128xi32, #tpu.memory_space<vmem>>
      %dma_start3A_106 = tpu.memref_squeeze %dma_start3A_105 : memref<1x128xi32, #tpu.memory_space<vmem>> -> memref<128xi32, #tpu.memory_space<vmem>>
      %dma_start3A_107 = arith.constant 0 : i32
      %dma_start3A_108 = arith.constant 0 : i32
      %dma_start3A_109 = tpu.memref_slice %arg10[%dma_start3A_107, %dma_start3A_108] : memref<8192x16xf32, #tpu.memory_space<vmem_shared>> -> memref<8192x16xf32, #tpu.memory_space<vmem_shared>>
      tpu.enqueue_indirect_dma source(%arg8 : memref<128x16xf32, #tpu.memory_space<vmem>>) target(%dma_start3A_109 : memref<8192x16xf32, #tpu.memory_space<vmem_shared>>) offsets(%dma_start3A_106 : memref<128xi32, #tpu.memory_space<vmem>>) semaphore(%run_scoped3A_103 : memref<!tpu.dma_semaphore, #tpu.memory_space<semaphore_mem>>) {add = true}
      %dma_wait3A_110 = arith.constant 0 : i32
      %dma_wait3A_111 = tpu.memref_slice %arg6[%run_scoped3A_54, %dma_wait3A_110] : memref<4x128xi32, #tpu.memory_space<vmem>> -> memref<1x128xi32, #tpu.memory_space<vmem>>
      %dma_wait3A_112 = tpu.memref_squeeze %dma_wait3A_111 : memref<1x128xi32, #tpu.memory_space<vmem>> -> memref<128xi32, #tpu.memory_space<vmem>>
      %dma_wait3A_113 = arith.constant 0 : i32
      %dma_wait3A_114 = arith.constant 0 : i32
      %dma_wait3A_115 = tpu.memref_slice %arg10[%dma_wait3A_113, %dma_wait3A_114] : memref<8192x16xf32, #tpu.memory_space<vmem_shared>> -> memref<8192x16xf32, #tpu.memory_space<vmem_shared>>
      tpu.wait_indirect_dma semaphore(%run_scoped3A_103 : memref<!tpu.dma_semaphore, #tpu.memory_space<semaphore_mem>>) src(%arg8 : memref<128x16xf32, #tpu.memory_space<vmem>>) dst(%dma_wait3A_115 : memref<8192x16xf32, #tpu.memory_space<vmem_shared>>)
      tpu.yield
    }) : () -> ()
    %run_scoped3A_55 = arith.constant 2 : i32
    "tpu.region"() ({
      %run_scoped3A_103 = tpu.sem_alloc : memref<!tpu.dma_semaphore, #tpu.memory_space<semaphore_mem>>
      %dma_start3A_104 = arith.constant 0 : i32
      %dma_start3A_105 = tpu.memref_slice %arg6[%run_scoped3A_55, %dma_start3A_104] : memref<4x128xi32, #tpu.memory_space<vmem>> -> memref<1x128xi32, #tpu.memory_space<vmem>>
      %dma_start3A_106 = tpu.memref_squeeze %dma_start3A_105 : memref<1x128xi32, #tpu.memory_space<vmem>> -> memref<128xi32, #tpu.memory_space<vmem>>
      %dma_start3A_107 = arith.constant 0 : i32
      %dma_start3A_108 = arith.constant 0 : i32
      %dma_start3A_109 = tpu.memref_slice %arg10[%dma_start3A_107, %dma_start3A_108] : memref<8192x16xf32, #tpu.memory_space<vmem_shared>> -> memref<8192x16xf32, #tpu.memory_space<vmem_shared>>
      tpu.enqueue_indirect_dma source(%arg8 : memref<128x16xf32, #tpu.memory_space<vmem>>) target(%dma_start3A_109 : memref<8192x16xf32, #tpu.memory_space<vmem_shared>>) offsets(%dma_start3A_106 : memref<128xi32, #tpu.memory_space<vmem>>) semaphore(%run_scoped3A_103 : memref<!tpu.dma_semaphore, #tpu.memory_space<semaphore_mem>>) {add = true}
      %dma_wait3A_110 = arith.constant 0 : i32
      %dma_wait3A_111 = tpu.memref_slice %arg6[%run_scoped3A_55, %dma_wait3A_110] : memref<4x128xi32, #tpu.memory_space<vmem>> -> memref<1x128xi32, #tpu.memory_space<vmem>>
      %dma_wait3A_112 = tpu.memref_squeeze %dma_wait3A_111 : memref<1x128xi32, #tpu.memory_space<vmem>> -> memref<128xi32, #tpu.memory_space<vmem>>
      %dma_wait3A_113 = arith.constant 0 : i32
      %dma_wait3A_114 = arith.constant 0 : i32
      %dma_wait3A_115 = tpu.memref_slice %arg10[%dma_wait3A_113, %dma_wait3A_114] : memref<8192x16xf32, #tpu.memory_space<vmem_shared>> -> memref<8192x16xf32, #tpu.memory_space<vmem_shared>>
      tpu.wait_indirect_dma semaphore(%run_scoped3A_103 : memref<!tpu.dma_semaphore, #tpu.memory_space<semaphore_mem>>) src(%arg8 : memref<128x16xf32, #tpu.memory_space<vmem>>) dst(%dma_wait3A_115 : memref<8192x16xf32, #tpu.memory_space<vmem_shared>>)
      tpu.yield
    }) : () -> ()
    %run_scoped3A_56 = arith.constant 3 : i32
    "tpu.region"() ({
      %run_scoped3A_103 = tpu.sem_alloc : memref<!tpu.dma_semaphore, #tpu.memory_space<semaphore_mem>>
      %dma_start3A_104 = arith.constant 0 : i32
      %dma_start3A_105 = tpu.memref_slice %arg6[%run_scoped3A_56, %dma_start3A_104] : memref<4x128xi32, #tpu.memory_space<vmem>> -> memref<1x128xi32, #tpu.memory_space<vmem>>
      %dma_start3A_106 = tpu.memref_squeeze %dma_start3A_105 : memref<1x128xi32, #tpu.memory_space<vmem>> -> memref<128xi32, #tpu.memory_space<vmem>>
      %dma_start3A_107 = arith.constant 0 : i32
      %dma_start3A_108 = arith.constant 0 : i32
      %dma_start3A_109 = tpu.memref_slice %arg10[%dma_start3A_107, %dma_start3A_108] : memref<8192x16xf32, #tpu.memory_space<vmem_shared>> -> memref<8192x16xf32, #tpu.memory_space<vmem_shared>>
      tpu.enqueue_indirect_dma source(%arg8 : memref<128x16xf32, #tpu.memory_space<vmem>>) target(%dma_start3A_109 : memref<8192x16xf32, #tpu.memory_space<vmem_shared>>) offsets(%dma_start3A_106 : memref<128xi32, #tpu.memory_space<vmem>>) semaphore(%run_scoped3A_103 : memref<!tpu.dma_semaphore, #tpu.memory_space<semaphore_mem>>) {add = true}
      %dma_wait3A_110 = arith.constant 0 : i32
      %dma_wait3A_111 = tpu.memref_slice %arg6[%run_scoped3A_56, %dma_wait3A_110] : memref<4x128xi32, #tpu.memory_space<vmem>> -> memref<1x128xi32, #tpu.memory_space<vmem>>
      %dma_wait3A_112 = tpu.memref_squeeze %dma_wait3A_111 : memref<1x128xi32, #tpu.memory_space<vmem>> -> memref<128xi32, #tpu.memory_space<vmem>>
      %dma_wait3A_113 = arith.constant 0 : i32
      %dma_wait3A_114 = arith.constant 0 : i32
      %dma_wait3A_115 = tpu.memref_slice %arg10[%dma_wait3A_113, %dma_wait3A_114] : memref<8192x16xf32, #tpu.memory_space<vmem_shared>> -> memref<8192x16xf32, #tpu.memory_space<vmem_shared>>
      tpu.wait_indirect_dma semaphore(%run_scoped3A_103 : memref<!tpu.dma_semaphore, #tpu.memory_space<semaphore_mem>>) src(%arg8 : memref<128x16xf32, #tpu.memory_space<vmem>>) dst(%dma_wait3A_115 : memref<8192x16xf32, #tpu.memory_space<vmem_shared>>)
      tpu.yield
    }) : () -> ()
    %barrier3A_57 = arith.constant 0 : index
    tpu.barrier barrier_id(%barrier3A_57)
    %mul3A_58 = arith.constant 512 : i32
    %mul3A_59 = arith.muli %arg1, %mul3A_58 : i32
    %mul3A_60 = arith.constant 512 : i32
    %mul3A_61 = arith.muli %arg1, %mul3A_60 : i32
    "tpu.region"() ({
      %run_scoped3A_103 = tpu.sem_alloc : memref<!tpu.dma_semaphore, #tpu.memory_space<semaphore_mem>>
      %dma_start3A_104 = arith.constant 0 : i32
      %dma_start3A_105 = arith.constant 0 : i32
      %dma_start3A_106 = tpu.memref_slice %arg5[%arg0, %dma_start3A_104, %dma_start3A_105] : memref<2x8192x16xf32, #tpu.memory_space<hbm>> -> memref<1x8192x16xf32, #tpu.memory_space<hbm>>
      %dma_start3A_107 = tpu.memref_squeeze %dma_start3A_106 : memref<1x8192x16xf32, #tpu.memory_space<hbm>> -> memref<8192x16xf32, #tpu.memory_space<hbm>>
      %dma_start3A_108 = arith.constant 0 : i32
      %dma_start3A_109 = tpu.memref_slice %dma_start3A_107[%mul3A_61, %dma_start3A_108] : memref<8192x16xf32, #tpu.memory_space<hbm>> -> memref<512x16xf32, #tpu.memory_space<hbm>>
      %dma_start3A_110 = arith.constant 0 : i32
      %dma_start3A_111 = tpu.memref_slice %arg10[%mul3A_59, %dma_start3A_110] : memref<8192x16xf32, #tpu.memory_space<vmem_shared>> -> memref<512x16xf32, #tpu.memory_space<vmem_shared>>
      tpu.enqueue_dma source(%dma_start3A_111 : memref<512x16xf32, #tpu.memory_space<vmem_shared>>) target(%dma_start3A_109 : memref<512x16xf32, #tpu.memory_space<hbm>>) target_semaphore(%run_scoped3A_103 : memref<!tpu.dma_semaphore, #tpu.memory_space<semaphore_mem>>)
      %dma_wait3A_112 = arith.constant 0 : i32
      %dma_wait3A_113 = arith.constant 0 : i32
      %dma_wait3A_114 = tpu.memref_slice %arg5[%arg0, %dma_wait3A_112, %dma_wait3A_113] : memref<2x8192x16xf32, #tpu.memory_space<hbm>> -> memref<1x8192x16xf32, #tpu.memory_space<hbm>>
      %dma_wait3A_115 = tpu.memref_squeeze %dma_wait3A_114 : memref<1x8192x16xf32, #tpu.memory_space<hbm>> -> memref<8192x16xf32, #tpu.memory_space<hbm>>
      %dma_wait3A_116 = arith.constant 0 : i32
      %dma_wait3A_117 = tpu.memref_slice %dma_wait3A_115[%mul3A_61, %dma_wait3A_116] : memref<8192x16xf32, #tpu.memory_space<hbm>> -> memref<512x16xf32, #tpu.memory_space<hbm>>
      %dma_wait3A_118 = arith.constant 0 : i32
      %dma_wait3A_119 = tpu.memref_slice %arg10[%mul3A_59, %dma_wait3A_118] : memref<8192x16xf32, #tpu.memory_space<vmem_shared>> -> memref<512x16xf32, #tpu.memory_space<vmem_shared>>
      tpu.wait_dma2 semaphore(%run_scoped3A_103 : memref<!tpu.dma_semaphore, #tpu.memory_space<semaphore_mem>>) src(%dma_wait3A_119 : memref<512x16xf32, #tpu.memory_space<vmem_shared>>) dst(%dma_wait3A_117 : memref<512x16xf32, #tpu.memory_space<hbm>>)
      tpu.yield
    }) : () -> ()
    %dma_wait3A = arith.constant 0 : i32
    %dma_wait3A_62 = arith.constant 0 : i32
    %dma_wait3A_63 = arith.constant 0 : i32
    %dma_wait3A_64 = tpu.memref_slice %arg7[%dma_wait3A_62, %dma_wait3A_63] : memref<512x32xf32, #tpu.memory_space<vmem>> -> memref<128x32xf32, #tpu.memory_space<vmem>>
    %dma_wait3A_65 = arith.constant 0 : i32
    %dma_wait3A_66 = tpu.memref_slice %arg6[%dma_wait3A, %dma_wait3A_65] : memref<4x128xi32, #tpu.memory_space<vmem>> -> memref<1x128xi32, #tpu.memory_space<vmem>>
    %dma_wait3A_67 = tpu.memref_squeeze %dma_wait3A_66 : memref<1x128xi32, #tpu.memory_space<vmem>> -> memref<128xi32, #tpu.memory_space<vmem>>
    %dma_wait3A_68 = arith.constant 0 : i32
    %dma_wait3A_69 = arith.constant 0 : i32
    %dma_wait3A_70 = tpu.memref_slice %arg2[%dma_wait3A_68, %dma_wait3A_69] : memref<8192x32xf32, #tpu.memory_space<hbm>> -> memref<8192x32xf32, #tpu.memory_space<hbm>>
    tpu.wait_indirect_dma semaphore(%arg11 : memref<!tpu.dma_semaphore, #tpu.memory_space<semaphore_mem>>) src(%dma_wait3A_70 : memref<8192x32xf32, #tpu.memory_space<hbm>>) dst(%dma_wait3A_64 : memref<128x32xf32, #tpu.memory_space<vmem>>)
    %dma_wait3A_71 = arith.constant 1 : i32
    %dma_wait3A_72 = arith.constant 128 : i32
    %dma_wait3A_73 = arith.constant 0 : i32
    %dma_wait3A_74 = tpu.memref_slice %arg7[%dma_wait3A_72, %dma_wait3A_73] : memref<512x32xf32, #tpu.memory_space<vmem>> -> memref<128x32xf32, #tpu.memory_space<vmem>>
    %dma_wait3A_75 = arith.constant 0 : i32
    %dma_wait3A_76 = tpu.memref_slice %arg6[%dma_wait3A_71, %dma_wait3A_75] : memref<4x128xi32, #tpu.memory_space<vmem>> -> memref<1x128xi32, #tpu.memory_space<vmem>>
    %dma_wait3A_77 = tpu.memref_squeeze %dma_wait3A_76 : memref<1x128xi32, #tpu.memory_space<vmem>> -> memref<128xi32, #tpu.memory_space<vmem>>
    %dma_wait3A_78 = arith.constant 0 : i32
    %dma_wait3A_79 = arith.constant 0 : i32
    %dma_wait3A_80 = tpu.memref_slice %arg2[%dma_wait3A_78, %dma_wait3A_79] : memref<8192x32xf32, #tpu.memory_space<hbm>> -> memref<8192x32xf32, #tpu.memory_space<hbm>>
    tpu.wait_indirect_dma semaphore(%arg11 : memref<!tpu.dma_semaphore, #tpu.memory_space<semaphore_mem>>) src(%dma_wait3A_80 : memref<8192x32xf32, #tpu.memory_space<hbm>>) dst(%dma_wait3A_74 : memref<128x32xf32, #tpu.memory_space<vmem>>)
    %dma_wait3A_81 = arith.constant 2 : i32
    %dma_wait3A_82 = arith.constant 256 : i32
    %dma_wait3A_83 = arith.constant 0 : i32
    %dma_wait3A_84 = tpu.memref_slice %arg7[%dma_wait3A_82, %dma_wait3A_83] : memref<512x32xf32, #tpu.memory_space<vmem>> -> memref<128x32xf32, #tpu.memory_space<vmem>>
    %dma_wait3A_85 = arith.constant 0 : i32
    %dma_wait3A_86 = tpu.memref_slice %arg6[%dma_wait3A_81, %dma_wait3A_85] : memref<4x128xi32, #tpu.memory_space<vmem>> -> memref<1x128xi32, #tpu.memory_space<vmem>>
    %dma_wait3A_87 = tpu.memref_squeeze %dma_wait3A_86 : memref<1x128xi32, #tpu.memory_space<vmem>> -> memref<128xi32, #tpu.memory_space<vmem>>
    %dma_wait3A_88 = arith.constant 0 : i32
    %dma_wait3A_89 = arith.constant 0 : i32
    %dma_wait3A_90 = tpu.memref_slice %arg2[%dma_wait3A_88, %dma_wait3A_89] : memref<8192x32xf32, #tpu.memory_space<hbm>> -> memref<8192x32xf32, #tpu.memory_space<hbm>>
    tpu.wait_indirect_dma semaphore(%arg11 : memref<!tpu.dma_semaphore, #tpu.memory_space<semaphore_mem>>) src(%dma_wait3A_90 : memref<8192x32xf32, #tpu.memory_space<hbm>>) dst(%dma_wait3A_84 : memref<128x32xf32, #tpu.memory_space<vmem>>)
    %dma_wait3A_91 = arith.constant 3 : i32
    %dma_wait3A_92 = arith.constant 384 : i32
    %dma_wait3A_93 = arith.constant 0 : i32
    %dma_wait3A_94 = tpu.memref_slice %arg7[%dma_wait3A_92, %dma_wait3A_93] : memref<512x32xf32, #tpu.memory_space<vmem>> -> memref<128x32xf32, #tpu.memory_space<vmem>>
    %dma_wait3A_95 = arith.constant 0 : i32
    %dma_wait3A_96 = tpu.memref_slice %arg6[%dma_wait3A_91, %dma_wait3A_95] : memref<4x128xi32, #tpu.memory_space<vmem>> -> memref<1x128xi32, #tpu.memory_space<vmem>>
    %dma_wait3A_97 = tpu.memref_squeeze %dma_wait3A_96 : memref<1x128xi32, #tpu.memory_space<vmem>> -> memref<128xi32, #tpu.memory_space<vmem>>
    %dma_wait3A_98 = arith.constant 0 : i32
    %dma_wait3A_99 = arith.constant 0 : i32
    %dma_wait3A_100 = tpu.memref_slice %arg2[%dma_wait3A_98, %dma_wait3A_99] : memref<8192x32xf32, #tpu.memory_space<hbm>> -> memref<8192x32xf32, #tpu.memory_space<hbm>>
    tpu.wait_indirect_dma semaphore(%arg11 : memref<!tpu.dma_semaphore, #tpu.memory_space<semaphore_mem>>) src(%dma_wait3A_100 : memref<8192x32xf32, #tpu.memory_space<hbm>>) dst(%dma_wait3A_94 : memref<128x32xf32, #tpu.memory_space<vmem>>)
    %mul3A_101 = arith.constant 512 : i32
    %mul3A_102 = arith.muli %add3A, %mul3A_101 : i32
    "tpu.region"() ({
      %run_scoped3A_103 = tpu.sem_alloc : memref<!tpu.dma_semaphore, #tpu.memory_space<semaphore_mem>>
      %dma_start3A_104 = arith.constant 0 : i32
      %dma_start3A_105 = tpu.memref_slice %arg4[%mul3A_102, %dma_start3A_104] : memref<16384x32xf32, #tpu.memory_space<hbm>> -> memref<512x32xf32, #tpu.memory_space<hbm>>
      %dma_start3A_106 = arith.constant 0 : i32
      %dma_start3A_107 = tpu.memref_slice %arg4[%mul3A_102, %dma_start3A_106] : memref<16384x32xf32, #tpu.memory_space<hbm>> -> memref<512x32xf32, #tpu.memory_space<hbm>>
      tpu.enqueue_dma source(%arg7 : memref<512x32xf32, #tpu.memory_space<vmem>>) target(%dma_start3A_107 : memref<512x32xf32, #tpu.memory_space<hbm>>) target_semaphore(%run_scoped3A_103 : memref<!tpu.dma_semaphore, #tpu.memory_space<semaphore_mem>>)
      %dma_wait3A_108 = arith.constant 0 : i32
      %dma_wait3A_109 = tpu.memref_slice %arg4[%mul3A_102, %dma_wait3A_108] : memref<16384x32xf32, #tpu.memory_space<hbm>> -> memref<512x32xf32, #tpu.memory_space<hbm>>
      %dma_wait3A_110 = arith.constant 0 : i32
      %dma_wait3A_111 = tpu.memref_slice %arg4[%mul3A_102, %dma_wait3A_110] : memref<16384x32xf32, #tpu.memory_space<hbm>> -> memref<512x32xf32, #tpu.memory_space<hbm>>
      tpu.wait_dma2 semaphore(%run_scoped3A_103 : memref<!tpu.dma_semaphore, #tpu.memory_space<semaphore_mem>>) src(%arg7 : memref<512x32xf32, #tpu.memory_space<vmem>>) dst(%dma_wait3A_111 : memref<512x32xf32, #tpu.memory_space<hbm>>)
      tpu.yield
    }) : () -> ()
    return
  }
}

module attributes {stable_mosaic.version = 14 : i64} {
  func.func @_cbnorm_kernel(%arg0: memref<8192x32xf32, #tpu.memory_space<vmem>>, %arg1: memref<32x8192xf32, #tpu.memory_space<vmem>>) attributes {dimension_semantics = [], scalar_prefetch = 0 : i64, scratch_operands = 0 : i64, tpu.core_type = #tpu.core_type<tc>} {
    %get3A = arith.constant 0 : index
    %get3A_0 = arith.constant 0 : index
    %get3A_1 = vector.load %arg0[%get3A, %get3A_0] : memref<8192x32xf32, #tpu.memory_space<vmem>>, vector<8192x32xf32>
    %mul3A = arith.mulf %get3A_1, %get3A_1 : vector<8192x32xf32>
    %reduce_sum3A = arith.constant dense<0.000000e+00> : vector<8192xf32>
    %reduce_sum3A_2 = vector.multi_reduction <add>, %mul3A, %reduce_sum3A [1] : vector<8192x32xf32> to vector<8192xf32>
    %broadcast_in_dim3A = vector.shape_cast %reduce_sum3A_2 : vector<8192xf32> to vector<8192x1xf32>
    %sqrt3A = math.sqrt %broadcast_in_dim3A : vector<8192x1xf32>
    %max3A = arith.constant 9.99999996E-13 : f32
    %max3A_3 = vector.broadcast %max3A : f32 to vector<8192x1xf32>
    %max3A_4 = arith.maximumf %sqrt3A, %max3A_3 : vector<8192x1xf32>
    %div3A = vector.broadcast %max3A_4 : vector<8192x1xf32> to vector<8192x32xf32>
    %div3A_5 = arith.divf %get3A_1, %div3A : vector<8192x32xf32>
    %transpose3A = tpu.transpose %div3A_5, [1, 0] : vector<8192x32xf32> -> vector<32x8192xf32>
    %swap3A = arith.constant 0 : index
    %swap3A_6 = arith.constant 0 : index
    %swap3A_7 = vector.load %arg1[%swap3A, %swap3A_6] : memref<32x8192xf32, #tpu.memory_space<vmem>>, vector<32x8192xf32>
    tpu.vector_store %arg1[%swap3A, %swap3A_6], %transpose3A {strides = array<i32>} : memref<32x8192xf32, #tpu.memory_space<vmem>>, vector<32x8192xf32>,
    return
  }
}

module attributes {stable_mosaic.version = 14 : i64} {
  func.func @_assign_kernel(%arg0: i32, %arg1: memref<1024x32xf32, #tpu.memory_space<vmem>>, %arg2: memref<32x8192xf32, #tpu.memory_space<vmem>>, %arg3: memref<1x1x1024xi32, #tpu.memory_space<vmem>>) attributes {dimension_semantics = [#tpu.dimension_semantics<arbitrary>], iteration_bounds = array<i64: 16>, scalar_prefetch = 0 : i64, scratch_operands = 0 : i64, tpu.core_type = #tpu.core_type<tc>, window_params = [{transform_indices = @transform_0, window_bounds = array<i64: 1024, 32>}, {pipeline_mode = #tpu.pipeline_mode<synchronous>, transform_indices = @transform_1, window_bounds = array<i64: 32, 8192>}, {transform_indices = @transform_2, window_bounds = array<i64: 1, 1, 1024>}]} {
    %get3A = arith.constant 0 : index
    %get3A_0 = arith.constant 0 : index
    %get3A_1 = vector.load %arg1[%get3A, %get3A_0] : memref<1024x32xf32, #tpu.memory_space<vmem>>, vector<1024x32xf32>
    %mul3A = arith.mulf %get3A_1, %get3A_1 : vector<1024x32xf32>
    %reduce_sum3A = arith.constant dense<0.000000e+00> : vector<1024xf32>
    %reduce_sum3A_2 = vector.multi_reduction <add>, %mul3A, %reduce_sum3A [1] : vector<1024x32xf32> to vector<1024xf32>
    %broadcast_in_dim3A = vector.shape_cast %reduce_sum3A_2 : vector<1024xf32> to vector<1024x1xf32>
    %sqrt3A = math.sqrt %broadcast_in_dim3A : vector<1024x1xf32>
    %max3A = arith.constant 9.99999996E-13 : f32
    %max3A_3 = vector.broadcast %max3A : f32 to vector<1024x1xf32>
    %max3A_4 = arith.maximumf %sqrt3A, %max3A_3 : vector<1024x1xf32>
    %div3A = vector.broadcast %max3A_4 : vector<1024x1xf32> to vector<1024x32xf32>
    %div3A_5 = arith.divf %get3A_1, %div3A : vector<1024x32xf32>
    %get3A_6 = arith.constant 0 : index
    %get3A_7 = arith.constant 0 : index
    %get3A_8 = vector.load %arg2[%get3A_6, %get3A_7] : memref<32x8192xf32, #tpu.memory_space<vmem>>, vector<32x8192xf32>
    %dot_general3A = arith.constant dense<0.000000e+00> : vector<1024x8192xf32>
    %dot_general3A_9 = tpu.matmul %div3A_5, %get3A_8, %dot_general3A {dimension_numbers = #tpu.dot_dimension_numbers<[1], [0], [0], [1], [0, 0, 1, 1], [], []>, transpose_lhs_hint = false} : vector<1024x32xf32>, vector<32x8192xf32>, vector<1024x8192xf32> -> vector<1024x8192xf32>
    %argmax3A = tpu.reduce_index %dot_general3A_9 {axis = 1 : i32, kind = #tpu.reduction_kind<arg_max>} : vector<1024x8192xf32> -> vector<1024xi32>
    %swap3A = arith.constant 0 : index
    %swap3A_10 = arith.constant 0 : index
    %swap3A_11 = arith.constant 0 : index
    %swap3A_12 = vector.load %arg3[%swap3A, %swap3A_10, %swap3A_11] : memref<1x1x1024xi32, #tpu.memory_space<vmem>>, vector<1x1x1024xi32>
    %swap3A_13 = vector.shape_cast %swap3A_12 : vector<1x1x1024xi32> to vector<1024xi32>
    %swap3A_14 = vector.shape_cast %argmax3A : vector<1024xi32> to vector<1x1x1024xi32>
    tpu.vector_store %arg3[%swap3A, %swap3A_10, %swap3A_11], %swap3A_14 {strides = array<i32>} : memref<1x1x1024xi32, #tpu.memory_space<vmem>>, vector<1x1x1024xi32>,
    return
  }
  func.func @transform_0(%arg0: i32) -> (i32, i32) {
    %c0_i32 = arith.constant 0 : i32
    %c0_i32_0 = arith.constant 0 : i32
    return %arg0, %c0_i32 : i32, i32
  }
  func.func @transform_1(%arg0: i32) -> (i32, i32) {
    %c0_i32 = arith.constant 0 : i32
    %c0_i32_0 = arith.constant 0 : i32
    %c0_i32_1 = arith.constant 0 : i32
    return %c0_i32, %c0_i32_0 : i32, i32
  }
  func.func @transform_2(%arg0: i32) -> (i32, i32, i32) {
    %c0_i32 = arith.constant 0 : i32
    %c0_i32_0 = arith.constant 0 : i32
    %c0_i32_1 = arith.constant 0 : i32
    return %arg0, %c0_i32, %c0_i32_0 : i32, i32, i32
  }
}

module attributes {stable_mosaic.version = 14 : i64} {
  func.func @_finalize_kernel(%arg0: memref<16384x32xf32, #tpu.memory_space<vmem>>, %arg1: memref<16384x32xf32, #tpu.memory_space<vmem>>, %arg2: memref<2x1024x128xf32, #tpu.memory_space<vmem>>, %arg3: memref<1x1xf32, #tpu.memory_space<vmem>>, %arg4: memref<1x1xf32, #tpu.memory_space<vmem>>, %arg5: memref<1x1xf32, #tpu.memory_space<vmem>>, %arg6: memref<1x1xf32, #tpu.memory_space<vmem>>, %arg7: memref<1x1xf32, #tpu.memory_space<vmem>>) attributes {dimension_semantics = [], scalar_prefetch = 0 : i64, scratch_operands = 0 : i64, tpu.core_type = #tpu.core_type<tc>} {
    %get3A = arith.constant 0 : index
    %get3A_0 = arith.constant 0 : index
    %get3A_1 = vector.load %arg0[%get3A, %get3A_0] : memref<16384x32xf32, #tpu.memory_space<vmem>>, vector<16384x32xf32>
    %get3A_2 = arith.constant 0 : index
    %get3A_3 = arith.constant 0 : index
    %get3A_4 = vector.load %arg1[%get3A_2, %get3A_3] : memref<16384x32xf32, #tpu.memory_space<vmem>>, vector<16384x32xf32>
    %sub3A = arith.subf %get3A_1, %get3A_4 : vector<16384x32xf32>
    %mul3A = arith.mulf %sub3A, %sub3A : vector<16384x32xf32>
    %reduce_sum3A = vector.shape_cast %mul3A : vector<16384x32xf32> to vector<1x16384x32xf32>
    %reduce_sum3A_5 = arith.constant dense<0.000000e+00> : vector<1xf32>
    %reduce_sum3A_6 = vector.multi_reduction <add>, %reduce_sum3A, %reduce_sum3A_5 [1, 2] : vector<1x16384x32xf32> to vector<1xf32>
    %reduce_sum3A_7 = vector.shape_cast %reduce_sum3A_6 : vector<1xf32> to vector<1x1x1xf32>
    %reduce_sum3A_8 = vector.extract %reduce_sum3A_7[0, 0, 0] : f32 from vector<1x1x1xf32>
    %div3A = arith.constant 5.242880e+05 : f32
    %div3A_9 = arith.divf %reduce_sum3A_8, %div3A : f32
    %get3A_10 = arith.constant 0 : index
    %get3A_11 = arith.constant 0 : index
    %get3A_12 = arith.constant 0 : index
    %get3A_13 = vector.load %arg2[%get3A_10, %get3A_11, %get3A_12] : memref<2x1024x128xf32, #tpu.memory_space<vmem>>, vector<2x1024x128xf32>
    %reduce_sum3A_14 = arith.constant dense<0.000000e+00> : vector<1024x128xf32>
    %reduce_sum3A_15 = vector.multi_reduction <add>, %get3A_13, %reduce_sum3A_14 [0] : vector<2x1024x128xf32> to vector<1024x128xf32>
    %mul3A_16 = arith.constant 6.250000e-02 : f32
    %mul3A_17 = vector.broadcast %mul3A_16 : f32 to vector<1024x128xf32>
    %mul3A_18 = arith.mulf %reduce_sum3A_15, %mul3A_17 : vector<1024x128xf32>
    %reshape3A = vector.shape_cast %mul3A_18 : vector<1024x128xf32> to vector<1024x8x16xf32>
    %reduce_sum3A_19 = arith.constant dense<0.000000e+00> : vector<1024x8xf32>
    %reduce_sum3A_20 = vector.multi_reduction <add>, %reshape3A, %reduce_sum3A_19 [2] : vector<1024x8x16xf32> to vector<1024x8xf32>
    %reshape3A_21 = vector.shape_cast %reduce_sum3A_20 : vector<1024x8xf32> to vector<1x8192xf32>
    %reduce_sum3A_22 = vector.shape_cast %reshape3A_21 : vector<1x8192xf32> to vector<1x1x8192xf32>
    %reduce_sum3A_23 = arith.constant dense<0.000000e+00> : vector<1xf32>
    %reduce_sum3A_24 = vector.multi_reduction <add>, %reduce_sum3A_22, %reduce_sum3A_23 [1, 2] : vector<1x1x8192xf32> to vector<1xf32>
    %reduce_sum3A_25 = vector.shape_cast %reduce_sum3A_24 : vector<1xf32> to vector<1x1x1xf32>
    %reduce_sum3A_26 = vector.extract %reduce_sum3A_25[0, 0, 0] : f32 from vector<1x1x1xf32>
    %div3A_27 = vector.broadcast %reduce_sum3A_26 : f32 to vector<1x8192xf32>
    %div3A_28 = arith.divf %reshape3A_21, %div3A_27 : vector<1x8192xf32>
    %max3A = arith.constant 9.99999971E-10 : f32
    %max3A_29 = vector.broadcast %max3A : f32 to vector<1x8192xf32>
    %max3A_30 = arith.maximumf %div3A_28, %max3A_29 : vector<1x8192xf32>
    %log3A = math.log %max3A_30 : vector<1x8192xf32>
    %mul3A_31 = arith.mulf %div3A_28, %log3A : vector<1x8192xf32>
    %reduce_sum3A_32 = vector.shape_cast %mul3A_31 : vector<1x8192xf32> to vector<1x1x8192xf32>
    %reduce_sum3A_33 = arith.constant dense<0.000000e+00> : vector<1xf32>
    %reduce_sum3A_34 = vector.multi_reduction <add>, %reduce_sum3A_32, %reduce_sum3A_33 [1, 2] : vector<1x1x8192xf32> to vector<1xf32>
    %reduce_sum3A_35 = vector.shape_cast %reduce_sum3A_34 : vector<1xf32> to vector<1x1x1xf32>
    %reduce_sum3A_36 = vector.extract %reduce_sum3A_35[0, 0, 0] : f32 from vector<1x1x1xf32>
    %neg3A = arith.constant 0.000000e+00 : f32
    %neg3A_37 = arith.subf %neg3A, %reduce_sum3A_36 : f32
    %neg3A_38 = arith.constant 0.000000e+00 : f32
    %neg3A_39 = arith.subf %neg3A_38, %neg3A_37 : f32
    %reshape3A_40 = vector.broadcast %div3A_9 : f32 to vector<1x1xf32>
    %swap3A = arith.constant 0 : index
    %swap3A_41 = arith.constant 0 : index
    %swap3A_42 = vector.load %arg4[%swap3A, %swap3A_41] : memref<1x1xf32, #tpu.memory_space<vmem>>, vector<1x1xf32>
    tpu.vector_store %arg4[%swap3A, %swap3A_41], %reshape3A_40 {strides = array<i32>} : memref<1x1xf32, #tpu.memory_space<vmem>>, vector<1x1xf32>,
    %reshape3A_43 = vector.broadcast %div3A_9 : f32 to vector<1x1xf32>
    %swap3A_44 = arith.constant 0 : index
    %swap3A_45 = arith.constant 0 : index
    %swap3A_46 = vector.load %arg5[%swap3A_44, %swap3A_45] : memref<1x1xf32, #tpu.memory_space<vmem>>, vector<1x1xf32>
    tpu.vector_store %arg5[%swap3A_44, %swap3A_45], %reshape3A_43 {strides = array<i32>} : memref<1x1xf32, #tpu.memory_space<vmem>>, vector<1x1xf32>,
    %reshape3A_47 = vector.broadcast %neg3A_39 : f32 to vector<1x1xf32>
    %swap3A_48 = arith.constant 0 : index
    %swap3A_49 = arith.constant 0 : index
    %swap3A_50 = vector.load %arg6[%swap3A_48, %swap3A_49] : memref<1x1xf32, #tpu.memory_space<vmem>>, vector<1x1xf32>
    tpu.vector_store %arg6[%swap3A_48, %swap3A_49], %reshape3A_47 {strides = array<i32>} : memref<1x1xf32, #tpu.memory_space<vmem>>, vector<1x1xf32>,
    %reshape3A_51 = vector.broadcast %neg3A_37 : f32 to vector<1x1xf32>
    %swap3A_52 = arith.constant 0 : index
    %swap3A_53 = arith.constant 0 : index
    %swap3A_54 = vector.load %arg7[%swap3A_52, %swap3A_53] : memref<1x1xf32, #tpu.memory_space<vmem>>, vector<1x1xf32>
    tpu.vector_store %arg7[%swap3A_52, %swap3A_53], %reshape3A_51 {strides = array<i32>} : memref<1x1xf32, #tpu.memory_space<vmem>>, vector<1x1xf32>,
    %mul3A_55 = arith.constant 2.500000e-01 : f32
    %mul3A_56 = arith.mulf %mul3A_55, %div3A_9 : f32
    %add3A = arith.addf %div3A_9, %mul3A_56 : f32
    %mul3A_57 = arith.constant 0.00999999977 : f32
    %mul3A_58 = arith.mulf %mul3A_57, %neg3A_39 : f32
    %add3A_59 = arith.addf %add3A, %mul3A_58 : f32
    %reshape3A_60 = vector.broadcast %add3A_59 : f32 to vector<1x1xf32>
    %swap3A_61 = arith.constant 0 : index
    %swap3A_62 = arith.constant 0 : index
    %swap3A_63 = vector.load %arg3[%swap3A_61, %swap3A_62] : memref<1x1xf32, #tpu.memory_space<vmem>>, vector<1x1xf32>
    tpu.vector_store %arg3[%swap3A_61, %swap3A_62], %reshape3A_60 {strides = array<i32>} : memref<1x1xf32, #tpu.memory_space<vmem>>, vector<1x1xf32>,
    return
  }
}

</mosaic_0001>

<sc_bundles>
// kernel: kernel.6.cloned.1.call-start
scs
__scs_entry_jumppad:
0x0: {  	(pc) =	sbr.rel $0x88, $3  }
0x1: {  	(tag) =	ssettag $0x0;
	lr =	simm.s32 $0x1  }
0x2: {  	[smem:$0x3F9F] =	sst lr;
	_ =	strace $0xD0000000  }
0x3: {  	_ = 	snop  }
0x4: {  	_ = 	snop  }
0x5: {  	_ = 	snop  }
0x6: {  	_ = 	snop  }
0x7: {  	_ = 	snop  }
__scs_overlays_trampoline_lowered:
0x8: {  	[smem:$0x3FAE] =	sst s0  }
0x9: {  	[smem:$0x3FAF] =	sst s1  }
0xa: {  	[smem:$0x3FB0] =	sst s2  }
0xb: {  	[smem:$0x3FB1] =	sst s3  }
0xc: {  	[smem:$0x3FB2] =	sst s4  }
0xd: {  	[smem:$0x3FB3] =	sst s5  }
0xe: {  	[smem:$0x3FB4] =	sst s6  }
0xf: {  	[smem:$0x3FB5] =	sst s7  }
0x10: {  	[smem:$0x3FB6] =	sst s8  }
0x11: {  	[smem:$0x3FB7] =	sst s9;
	s0 =	simm.s32 @!p0 $0x0  }
0x12: {  	s1 =	sld [smem:$0x3F9D];
	s0 =	simm.s32 @p0 $0x1  }
0x13: {  	[smem:$0x3FB8] =	sst s0;
	s0 =	simm.s32 @!p1 $0x0  }
0x14: {  	s2 =	sld [smem:$0x3F9C];
	s0 =	simm.s32 @p1 $0x1  }
0x15: {  	[smem:$0x3FB9] =	sst s0;
	s0 =	simm.s32 @!p2 $0x0  }
0x16: {  	s3 =	sld [smem:$0x3FDB];
	s0 =	simm.s32 @p2 $0x1  }
0x17: {  	s4 =	simm.s32 $0x1BF5;
	[smem:$0x3FBB] =	sst s0  }
0x18: {  	s0 =	sld [smem:$0x3F9E];
	_ =	swait.ge [sflag:s4], $0x0  }
0x19: {  	s7 =	sld [smem:$0x3F9F]  }
0x1a: {  	s8 =	sadd.s32 $0xFFFFE003, lr  }
0x1b: {  	s9 =	sadd.s32 $0xFFFFFEF7, lr;
	s5 =	simm.s32 $0xFFFFFFFF;
	p2 =	slt.u32 s8, $0xFFFFF086  }
0x1c: {  	p1 =	slt.u32 s9, $0xF7A;
	s5 =	simm.s32 @!p2 $0x0  }
0x1d: {  	s5 =	simm.s32 @p1 $0x1;
	p0 =	seq.s32 s7, s2  }
0x1e: {  	s7 =	smul.u32 @!p0 $0xF7A, s2;
	p2 =	seq.s32 @!p0 s5, $0x0  }
0x1f: {  	s9 =	smul.u32 $0xF7A, s1;
	s8 =	simm.s32 @!p0 $0x1BF5;
	p2 =	por !p2, p0  }
0x20: {  	[sflag:s8] =	ssyncset.s32 @!p0 $0xFFFFF086;
	s6 =	sadd.s32 @!p0 s3, s7;
	s7 =	simm.s32 @!p0 $0x108  }
0x21: {  	s3 =	sadd.s32 s3, s9;
	s6 =	sadd.s32 @!p0 $0x88, s6;
	s7 =	simm.s32 @p2 $0x1082  }
0x22: {  	[simem:s7], [sflag:s8] =	dma.local @!p0 [hbm:s6], $0xF7A  }
0x23: {  	s9 =	sor.u32 $0xD0000000, s2;
	s6 =	simm.s32 $0x108;
	_ =	swait.ge @!p0 [sflag:s8], $0x0  }
0x24: {  	s3 =	sadd.s32 $0x88, s3;
	s6 =	simm.s32 @!p1 $0x1082;
	[sflag:s4] =	ssyncset.s32 $0xFFFFF086  }
0x25: {  	[simem:s6], [sflag:s4] =	dma.local [hbm:s3], $0xF7A  }
0x26: {  	[smem:$0x3F9F] =	sst s1;
	(tag) =	ssettag s2;
	_ =	strace s9  }
0x27: {  	s1 =	sld [smem:$0x3FAF]  }
0x28: {  	s2 =	sld [smem:$0x3FB0]  }
0x29: {  	s4 =	sld [smem:$0x3FB2]  }
0x2a: {  	p0 =	seq.s32 s5, $0x0;
	s5 =	sld [smem:$0x3FB3]  }
0x2b: {  	s6 =	sld [smem:$0x3FB4]  }
0x2c: {  	s7 =	sld [smem:$0x3FB5]  }
0x2d: {  	s3 =	simm.s32 $0x108;
	s8 =	sld [smem:$0x3FB6]  }
0x2e: {  	s3 =	simm.s32 @!p0 $0x1082;
	s9 =	sld [smem:$0x3FB7]  }
0x2f: {  	lr =	sadd.s32 s0, s3;
	s0 =	sld [smem:$0x3FAE]  }
0x30: {  	s3 =	sld [smem:$0x3FB1]  }
0x31: {  	[smem:$0x3FBA] =	sst s10  }
0x32: {  	s10 =	sld [smem:$0x3FB8];
	_ =	sdelay $0x3  }
0x33: {  	p0 =	seq.s32 s10, $0x1;
	s10 =	sld [smem:$0x3FBA];
	_ =	sdelay $0x3  }
0x34: {  	[smem:$0x3FBA] =	sst s10  }
0x35: {  	s10 =	sld [smem:$0x3FB9];
	_ =	sdelay $0x3  }
0x36: {  	p1 =	seq.s32 s10, $0x1;
	s10 =	sld [smem:$0x3FBA];
	_ =	sdelay $0x3  }
0x37: {  	[smem:$0x3FBA] =	sst s10  }
0x38: {  	s10 =	sld [smem:$0x3FBB]  }
0x39: {  	_ = 	snop;
	(pc) =	sbr.ind lr, $3  }
0x3a: {  	_ = 	snop  }
0x3b: {  	_ = 	snop  }
0x3c: {  	p2 =	seq.s32 s10, $0x1;
	s10 =	sld [smem:$0x3FBA]  }
0x3d: {  	_ =	shalt  }
0x3e: {  	_ =	shalt  }
0x3f: {  	_ =	shalt  }
0x40: {  	_ =	shalt  }
0x41: {  	_ =	shalt  }
0x42: {  	_ =	shalt  }
0x43: {  	_ =	shalt  }
0x44: {  	_ =	shalt  }
0x45: {  	_ =	shalt  }
0x46: {  	_ =	shalt  }
0x47: {  	_ =	shalt  }
0x48: {  	_ =	shalt  }
0x49: {  	_ =	shalt  }
0x4a: {  	_ =	shalt  }
0x4b: {  	_ =	shalt  }
0x4c: {  	_ =	shalt  }
0x4d: {  	_ =	shalt  }
0x4e: {  	_ =	shalt  }
0x4f: {  	_ =	shalt  }
0x50: {  	_ =	shalt  }
0x51: {  	_ =	shalt  }
0x52: {  	_ =	shalt  }
0x53: {  	_ =	shalt  }
0x54: {  	_ =	shalt  }
0x55: {  	_ =	shalt  }
0x56: {  	_ =	shalt  }
0x57: {  	_ =	shalt  }
0x58: {  	_ =	shalt  }
0x59: {  	_ =	shalt  }
0x5a: {  	_ =	shalt  }
0x5b: {  	_ =	shalt  }
0x5c: {  	_ =	shalt  }
0x5d: {  	_ =	shalt  }
0x5e: {  	_ =	shalt  }
0x5f: {  	_ =	shalt  }
0x60: {  	_ =	shalt  }
0x61: {  	_ =	shalt  }
0x62: {  	_ =	shalt  }
0x63: {  	_ =	shalt  }
0x64: {  	_ =	shalt  }
0x65: {  	_ =	shalt  }
0x66: {  	_ =	shalt  }
0x67: {  	_ =	shalt  }
0x68: {  	_ =	shalt  }
0x69: {  	_ =	shalt  }
0x6a: {  	_ =	shalt  }
0x6b: {  	_ =	shalt  }
0x6c: {  	_ =	shalt  }
0x6d: {  	_ =	shalt  }
0x6e: {  	_ =	shalt  }
0x6f: {  	_ =	shalt  }
0x70: {  	_ =	shalt  }
0x71: {  	_ =	shalt  }
0x72: {  	_ =	shalt  }
0x73: {  	_ =	shalt  }
0x74: {  	_ =	shalt  }
0x75: {  	_ =	shalt  }
0x76: {  	_ =	shalt  }
0x77: {  	_ =	shalt  }
0x78: {  	_ =	shalt  }
0x79: {  	_ =	shalt  }
0x7a: {  	_ =	shalt  }
0x7b: {  	_ =	shalt  }
0x7c: {  	_ =	shalt  }
0x7d: {  	_ =	shalt  }
0x7e: {  	_ =	shalt  }
0x7f: {  	_ =	shalt  }
0x80: {  	_ =	shalt  }
0x81: {  	_ =	shalt  }
0x82: {  	_ =	shalt  }
0x83: {  	_ =	shalt  }
0x84: {  	_ =	shalt  }
0x85: {  	_ =	shalt  }
0x86: {  	_ =	shalt  }
0x87: {  	_ =	shalt  }
.Lfunc_end0:
.L_simem_size_0:
called_computation_lowered:
.L_overlay_start_0:
0x88: {  	s2 =	sld [smem:$0x3FD9]  }
0x89: {  	s3 =	sld [smem:$0x3FFE];
	_ =	sdelay $0x1  }
0x8a: {  	s1 =	srdreg.scid  }
0x8b: {  	s0 =	sand.u32 $0x1, s1  }
0x8c: {  	s14 =	sshll.u32 s0, $0xA;
	s2 =	sadd.s32 s3, s2  }
0x8d: {  	s2 =	sadd.s32 s2, s14  }
0x8e: {  	[smem:$0x3FC6] =	sst s2  }
0x8f: {  	_ = 	snop  }
0x90: {  	s2 =	sld [smem:$0x3FD0];
	_ =	sdelay $0x2  }
0x91: {  	s15 =	simm.s32 $0xA;
	s4 =	simm.s32 $0x10  }
0x92: {  	[smem:s4], [sflag:s15] =	dma.local [hbm:s2], $0x1  }
0x93: {  	_ =	swait.eq [sflag:s15], $0x1  }
0x94: {  	[sflag:s15] =	ssyncset.done $0x0  }
0x95: {  	s16 =	sld [smem:$0x10];
	[sflag:s15] =	ssyncadd.s32 $0xFFFFFFFF  }
0x96: {  	s17 =	sld [smem:$0x16];
	(tm) =	ssettm $0x1  }
0x97: {  	s18 =	sld [smem:$0x3FFB];
	_ =	sdelay $0x3  }
0x98: {  	_ =	strace s18  }
0x99: {  	s4 =	sld [smem:$0x3FFC];
	_ =	sdelay $0x3  }
0x9a: {  	_ =	strace s4  }
0x9b: {  	s4 =	sld [smem:$0x3FFD];
	_ =	sdelay $0x3  }
0x9c: {  	_ =	strace s4  }
0x9d: {  	_ =	strace $0x8FFFFFFF  }
0x9e: {  	s19 =	sld [smem:$0x3FDB];
	_ =	sdelay $0x1  }
0x9f: {  	s5 =	simm.s32 $_scs_section_size  }
0xa0: {  	s6 =	simm.s32 $_size__tile_overlayer_lowered;
	s7 =	simm.s32 $_tile_overlayer_lowered  }
0xa1: {  	s22 =	simm.s32 $0x1BFF;
	s21 =	sshll.u32 s7, $0x1;
	s4 =	sadd.s32 s5, s19  }
0xa2: {  	s8 =	simm.s32 $0x0;
	s20 =	sshll.u32 s6, $0x1;
	s6 =	sadd.s32 s21, s4  }
0xa3: {  	[timem:s8], [sflag:s22] =	dma.local [hbm:s6], s20  }
0xa4: {  	_ =	swait.ge [sflag:s22], s20  }
0xa5: {  	s5 =	ssub.s32 $0x0, s20;
	[sflag:s22] =	ssyncset.done $0x0  }
0xa6: {  	[sflag:s22] =	ssyncadd.s32 s5;
	_ =	sdelay $0x1  }
0xa7: {  	s23 =	simm.s32 $0x1B8B  }
0xa8: {  	_ =	swait.ge [sflag:s23], $0x1  }
0xa9: {  	[sflag:s23] =	ssyncset.done $0x0  }
0xaa: {  	s25 =	simm.s32 $0x1B8E;
	s24 =	sld [smem:$0x3FFE];
	[sflag:s23] =	ssyncadd.s32 $0xFFFFFFFF  }
0xab: {  	s26 =	simm.s32 $execute0_lowered;
	[smem:$0x3FD2] =	sst s25  }
0xac: {  	s6 =	sshll.u32 s26, $0x1;
	_ =	strace $0x80000046;
	[dreg:$0x1] =	wrdreg $0xFFFFFFFF  }
0xad: {  	s28 =	simm.s32 $_size_execute0_lowered;
	s4 =	sadd.s32 s4, s6;
	[dreg:$0x0] =	wrdreg $0x0  }
0xae: {  	s6 =	sshll.u32 s28, $0x1;
	[dreg:$0x2] =	wrdreg s4  }
0xaf: {  	[dreg:$0x3] =	wrdreg s6  }
0xb0: {  	[dreg:$0x4] =	wrdreg $0xC0  }
0xb1: {  	_ =	task [dreg:s8], $0x5FFFF  }
0xb2: {  	[dreg:$0x1] =	wrdreg $0xFFFFFFFF  }
0xb3: {  	[dreg:$0x0] =	wrdreg $0x60  }
0xb4: {  	[dreg:$0x2] =	wrdreg s24  }
0xb5: {  	[dreg:$0x3] =	wrdreg s17  }
0xb6: {  	[dreg:$0x4] =	wrdreg s16  }
0xb7: {  	[dreg:$0x5] =	wrdreg $0x6A000  }
0xb8: {  	[dreg:$0x6] =	wrdreg $0x9  }
0xb9: {  	_ =	task.clear_ibuf [dreg:s8], $0x7FFFF;
	_ =	strace $0x90000046  }
0xba: {  	s29 =	simm.s32 $0x9;
	_ =	strace $0x80000048  }
0xbb: {  	_ =	swait.ge [sflag:s29], $0x1  }
0xbc: {  	[sflag:s29] =	ssyncadd.s32 $0xFFFFFFFF  }
0xbd: {  	_ =	strace $0x90000048  }
0xbe: {  	_ =	sfence  }
0xbf: {  	s30 =	sld [smem:$0x0];
	_ =	sdelay $0x2  }
0xc0: {  	s31 =	sshll.u32 s1, $0xD;
	s1 =	sshrl.u32 s1, $0x2  }
0xc1: {  	s3 =	sand.u32 $0x4000, s31;
	s1 =	sadd.s32 s1, s30  }
0xc2: {  	s0 =	sor.u32 s3, s0;
	s1 =	sshll.u32 s1, $0x11  }
0xc3: {  	s0 =	sor.u32 s1, s0  }
0xc4: {  	s0 =	sadd.s32 $0x8F2B, s0  }
0xc5: {  	[sflag:s0] =	ssyncadd.remote.s32 $0x1  }
0xc6: {  	_ =	sfence.sel $0xFFFF  }
0xc7: {  	[dreg:$0x0] =	wrdreg $0xFFFFFFFF;
	(pc) =	sbr.abs _section_cstart, $3  }
0xc8: {  	[dreg:$0x1] =	wrdreg $0xFFFFFFFF  }
0xc9: {  	_ =	task.clear_ibuf [dreg:s8], $0x2FFFF;
	_ =	strace $0x9FFFFFFF  }
0xca: {  	(tm) =	ssettm $0x7FFFFFFF  }
0xcb: {  	_ =	shalt  }
tec
execute0_lowered:
.L_overlay_start_1:
0x0: {  	(tag) =	ssettag $0x1  }
0x1: {  	s5 =	rddreg [dreg:$0x0]  }
0x2: {  	s6 =	rddreg [dreg:$0x1]  }
0x3: {  	s7 =	rddreg [dreg:$0x2]  }
0x4: {  	s1 =	rddreg [dreg:$0x3]  }
0x5: {  	s0 =	rddreg [dreg:$0x4]  }
0x6: {  	s2 =	simm.s32 $0x0;
	s3 =	srdreg.scid;
	s12 =	simm.s32 $0x1200  }
0x7: {  	s13 =	simm.s32 $0x100;
	s14 =	simm.s32 $0x2200;
	s15 =	simm.s32 $0x180  }
0x8: {  	s16 =	simm.s32 $0x3200;
	s17 =	simm.s32 $0x4A00;
	s18 =	simm.s32 $0x4200  }
0x9: {  	s21 =	simm.s32 $0x0;
	[smem:$0x7FF] =	sst s2;
	s8 =	sand.u32 $0x1, s3  }
0xa: {  	s3 =	stileid.u32;
	s4 =	sadd.s32 $0xE00, s5;
	_ =	strace $0x80000047  }
0xb: {  	s19 =	sshll.u32 s3, $0xA;
	s9 =	sshll.u32 s8, $0x9;
	s10 =	sshll.u32 s8, $0xE  }
0xc: {  	s8 =	ssub.s32 $0x2, s8;
	s31 =	sshll.u32 s3, $0xD;
	s9 =	sor.u32 s9, s19  }
0xd: {  	s10 =	sadd.s32 s10, s5;
	s30 =	sshrl.u32 s8, $0x1;
	s11 =	sshrl.u32 s9, $0x3  }
0xe: {  	s8 =	ssub.s32 s8, s30;
	s20 =	sadd.s32 $0x8E00, s10;
	s9 =	sshll.u32 s9, $0x2  }
0xf: {  	s10 =	simm.s32 $0x80;
	s5 =	sadd.s32 s6, s11;
	s6 =	sadd.s32 s31, s1  }
0x10: {  	s7 =	sadd.s32 s7, s9;
	s8 =	smax.u32 s8, $0x1;
	s9 =	simm.s32 $0x2  }
0x11: {  	v0 =	vimm.f32 $1.000000000e+00;
	v1 =	vimm.f32 $0.0e+00;
	s11 =	simm.s32 $0x200;
	s19 =	sadd.s32 s19, s20;
	s20 =	simm.s32 $0x1  }
.LBB2_1:
0x12: {  	[tilespmem:s2], [sflag:$0x2] =	stream.linear.gather [hbm4b:s5+s2], $0x200, $0x38;
	[tilespmem:$0x8A00] =	vst v63  }
0x13: {  	_ =	swait.ge [sflag:s9], $0x200  }
0x14: {  	[sflag:s9] =	ssyncset.done $0x0  }
0x15: {  	s22 =	simm.s32 $0x0;
	[sflag:s9] =	ssyncadd.s32 $0xFFFFFE00  }
.LBB2_2:
0x16: {  	p0 =	sne.s32 s22, $0x1FC0  }
.Ltmp0:
0x17: {  	_ = 	snop;
	(pc) =	sbr.rel @p0 .LBB2_2-.Ltmp0, $3  }
0x18: {  	_ =	sdelay $0x1  }
0x19: {  	s23 =	sshra.s32 s22, $0x2  }
0x1a: {  	s22 =	sadd.s32 $0x40, s22;
	[tilespmem:s23+$0x4200] =	vst v0  }
0x1b: {  	s22 =	simm.s32 $0x40;
	s23 =	simm.s32 $0x0  }
.LBB2_4:
0x1c: {  	p0 =	sne.s32 s22, $0x7FC0;
	[tilespmem:s23+$0x4A00] =	vst v1;
	s23 =	smov.u32 s22;
	s22 =	sadd.s32 $0x40, s22  }
.Ltmp1:
0x1d: {  	(pc) =	sbr.rel @p0 .LBB2_4-.Ltmp1, $2  }
0x1e: {  	_ =	sdelay $0x2  }
0x1f: {  	s23 =	sshra.s32 s23, $0x2  }
0x20: {  	[tilespmem:s23+$0x4A00] =	vst v1  }
0x21: {  	[tilespmem:s11], [sflag:$0x1] =	stream.indirect.gather [hbm4b:s4+s10], $0x20, s2, s10, $0xb8;
	[tilespmem:$0x8A00] =	vst v63  }
0x22: {  	_ = 	snop  }
0x23: {  	[tilespmem:s12], [sflag:$0x1] =	stream.indirect.gather [hbm4b:s4+s10], $0x20, s10, s10, $0xb8;
	[tilespmem:$0x8A00] =	vst v63  }
0x24: {  	_ = 	snop  }
0x25: {  	[tilespmem:s14], [sflag:$0x1] =	stream.indirect.gather [hbm4b:s4+s10], $0x20, s13, s10, $0xb8;
	[tilespmem:$0x8A00] =	vst v63  }
0x26: {  	_ = 	snop  }
0x27: {  	[tilespmem:s16], [sflag:$0x1] =	stream.indirect.gather [hbm4b:s4+s10], $0x20, s15, s10, $0xb8;
	[tilespmem:$0x8A00] =	vst v63  }
0x28: {  	_ = 	snop  }
0x29: {  	[spmem:s6] =	stream.linear.scatter [tilespmem:s17], [sflag:$0x2], $0x2000, $0x38;
	[tilespmem:$0x8A00] =	vst v63  }
0x2a: {  	_ =	swait.ge [sflag:s9], $0x2000  }
0x2b: {  	[sflag:s9] =	ssyncset.done $0x0  }
0x2c: {  	[sflag:s9] =	ssyncadd.s32 $0xFFFFE000  }
0x2d: {  	[bflag:$0x0] =	sbarrier.arrive $0xFFFF  }
0x2e: {  	[spmem:s1] =	stream.indirect.scatter.add.f32 [tilespmem:s18], [sflag:$0x2], $0x10, s2, s10, $0xb8;
	[tilespmem:$0x8A00] =	vst v63  }
0x2f: {  	_ =	swait.ge [sflag:s9], $0x800  }
0x30: {  	[sflag:s9] =	ssyncset.done $0x0  }
0x31: {  	[sflag:s9] =	ssyncadd.s32 $0xFFFFF800  }
0x32: {  	[spmem:s1] =	stream.indirect.scatter.add.f32 [tilespmem:s18], [sflag:$0x2], $0x10, s10, s10, $0xb8;
	[tilespmem:$0x8A00] =	vst v63  }
0x33: {  	_ =	swait.ge [sflag:s9], $0x800  }
0x34: {  	[sflag:s9] =	ssyncset.done $0x0  }
0x35: {  	[sflag:s9] =	ssyncadd.s32 $0xFFFFF800  }
0x36: {  	[spmem:s1] =	stream.indirect.scatter.add.f32 [tilespmem:s18], [sflag:$0x2], $0x10, s13, s10, $0xb8;
	[tilespmem:$0x8A00] =	vst v63  }
0x37: {  	_ =	swait.ge [sflag:s9], $0x800  }
0x38: {  	[sflag:s9] =	ssyncset.done $0x0  }
0x39: {  	[sflag:s9] =	ssyncadd.s32 $0xFFFFF800  }
0x3a: {  	[spmem:s1] =	stream.indirect.scatter.add.f32 [tilespmem:s18], [sflag:$0x2], $0x10, s15, s10, $0xb8;
	[tilespmem:$0x8A00] =	vst v63  }
0x3b: {  	_ =	swait.ge [sflag:s9], $0x800  }
0x3c: {  	[sflag:s9] =	ssyncset.done $0x0  }
0x3d: {  	s22 =	sshll.u32 s3, $0x6;
	[sflag:s9] =	ssyncadd.s32 $0xFFFFF800  }
0x3e: {  	s31 =	sshrl.u32 s6, $0x3;
	s22 =	sor.u32 $0x1C02, s22;
	[bflag:$0x0] =	sbarrier.arrive $0xFFFF  }
0x3f: {  	[hbm:s19], [sflag:s22] =	dma.local [spmem:s31], $0x400  }
0x40: {  	_ =	swait.ge [sflag:s9], $0x400  }
0x41: {  	[sflag:s9] =	ssyncset.done $0x0  }
0x42: {  	[sflag:s9] =	ssyncadd.s32 $0xFFFFFC00  }
0x43: {  	_ =	swait.ge [sflag:s20], $0x1000  }
0x44: {  	[sflag:s20] =	ssyncset.done $0x0  }
0x45: {  	[sflag:s20] =	ssyncadd.s32 $0xFFFFF000  }
0x46: {  	_ =	swait.ge [sflag:s20], $0x1000  }
0x47: {  	[sflag:s20] =	ssyncset.done $0x0  }
0x48: {  	[sflag:s20] =	ssyncadd.s32 $0xFFFFF000  }
0x49: {  	_ =	swait.ge [sflag:s20], $0x1000  }
0x4a: {  	[sflag:s20] =	ssyncset.done $0x0  }
0x4b: {  	[sflag:s20] =	ssyncadd.s32 $0xFFFFF000  }
0x4c: {  	s21 =	sadd.s32 $0x1, s21;
	_ =	swait.ge [sflag:s20], $0x1000  }
0x4d: {  	p0 =	sne.s32 s21, s8;
	[sflag:s20] =	ssyncset.done $0x0  }
.Ltmp2:
0x4e: {  	[sflag:s20] =	ssyncadd.s32 $0xFFFFF000;
	(pc) =	sbr.rel @p0 .LBB2_1-.Ltmp2, $4  }
0x4f: {  	[hbm4b:s7+s2] =	stream.linear.scatter [tilespmem:s11], [sflag:$0x2], $0x4000, $0x38;
	[tilespmem:$0x8A00] =	vst v63  }
0x50: {  	_ =	swait.ge [sflag:s9], $0x4000  }
0x51: {  	[sflag:s9] =	ssyncset.done $0x0  }
0x52: {  	[sflag:s9] =	ssyncadd.s32 $0xFFFFC000  }
0x53: {  	_ =	sfence.sel $0x180000  }
0x54: {  	[bflag:$0x0] =	sbarrier.arrive $0xFFFF  }
0x55: {  	p0 =	sne.s32 s3, $0x0;
	_ =	strace $0x90000047  }
0x56: {  	s0 =	sadd.s32 @!p0 $0x100000, s0;
	[bflag:$0x2] =	sbarrier.arrive $0xFFFF  }
0x57: {  	[sflag:s0] =	ssyncadd.tile.s32 @!p0 $0x1;
	_ =	shalt  }
.Lfunc_end2:
_tile_overlayer_lowered:
.L_overlay_start_2:
0x58: {  	(tag) =	ssettag $0x2  }
0x59: {  	s0 =	rddreg [dreg:$0x0];
	s2 =	stileid.u32  }
0x5a: {  	s1 =	rddreg [dreg:$0x1];
	p0 =	sne.s32 s2, $0x0  }
0x5b: {  	s3 =	rddreg [dreg:$0x2];
	[bflag:$0x3] =	sbarrier.arrive $0xFFFF;
	s2 =	simm.s32 @!p0 $0x1C02  }
0x5c: {  	[timem:s3], [sflag:s2] =	dma.local @!p0 [hbm:s0], s1  }
0x5d: {  	s0 =	simm.s32 @!p0 $0x2  }
0x5e: {  	_ =	swait.ge @!p0 [sflag:s0], s1  }
0x5f: {  	s1 =	ssub.s32 @!p0 $0x0, s1;
	[sflag:s0] =	ssyncset.done @!p0 $0x0  }
0x60: {  	[sflag:s0] =	ssyncadd.s32 @!p0 s1  }
0x61: {  	[bflag:$0x3] =	sbarrier.arrive $0xFFFF  }
0x62: {  	_ =	shalt  }

</sc_bundles>
